<compile_context>
chip_gen: v7x
topology: tpu7x:2x2x1
jax: 0.10.2.dev20260603
libtpu: 0.0.44.dev20260713+nightly
codegen_flags: <defaults>
</compile_context>

<pallas_src>
import functools

import jax
import jax.numpy as jnp
from jax import lax
from jax.experimental import pallas as pl
from jax.experimental.pallas import tpu as pltpu
from jax.experimental.pallas import tpu_sc as plsc

_NNZ = 819200
_TBL = 1000000
_NUM_CORES = 2
_NUM_SUBCORES = 16
_NW = _NUM_CORES * _NUM_SUBCORES
_B_PER_W = _NNZ // _NW
_C = 6400
_NCHUNK = _B_PER_W // _C

_SEG = 62504
_HOP = 8000
_NHOP = 8


def _build():
    mesh = plsc.VectorSubcoreMesh(core_axis_name="c", subcore_axis_name="s")

    @functools.partial(
        pl.kernel,
        mesh=mesh,
        out_type=jax.ShapeDtypeStruct((_NNZ,), jnp.float32),
        scratch_types=[
            pltpu.VMEM((_B_PER_W,), jnp.int32),
            pltpu.VMEM((_B_PER_W,), jnp.float32),
            pltpu.VMEM((_HOP,), jnp.float32),
            pltpu.VMEM((_HOP,), jnp.float32),
            pltpu.VMEM_SHARED((_TBL,), jnp.float32),
            pltpu.SemaphoreType.DMA,
            pltpu.SemaphoreType.DMA,
            pltpu.SemaphoreType.DMA,
            pltpu.SemaphoreType.DMA,
            pltpu.SemaphoreType.DMA,
            pltpu.SemaphoreType.DMA,
        ],
    )
    def gather_kernel(ids_hbm, table_hbm, out_hbm, raw_v, va_v, bnc_a,
                      bnc_b, tbl_sh, sem_ids, sem_s1, sem_ia, sem_ib,
                      sem_ea, sem_eb):
        cid = lax.axis_index("c")
        sid = lax.axis_index("s")
        wid = sid * _NUM_CORES + cid
        base = wid * _B_PER_W

        cp_ids = pltpu.async_copy(ids_hbm.at[pl.ds(base, _B_PER_W)], raw_v,
                                  sem_ids)
        dst0 = jnp.where(sid < _NUM_SUBCORES - 1, sid * _SEG, _TBL - _SEG)
        hop_off = [dst0 + min(j * _HOP, _SEG - _HOP) for j in range(_NHOP)]
        slot = [(bnc_a, sem_ia, sem_ea), (bnc_b, sem_ib, sem_eb)]
        h_in, h_out = {}, {}
        for j in range(_NHOP):
            bnc, s_in, s_out = slot[j % 2]
            if j >= 2:
                h_out.pop(j - 2).wait()
            h_in[j] = pltpu.async_copy(
                table_hbm.at[pl.ds(hop_off[j], _HOP)], bnc, s_in)
            if j >= 1:
                pj = j - 1
                bpj, _, spj = slot[pj % 2]
                h_in.pop(pj).wait()
                h_out[pj] = pltpu.async_copy(
                    bpj, tbl_sh.at[pl.ds(hop_off[pj], _HOP)], spj)
        bl, _, sl = slot[(_NHOP - 1) % 2]
        h_in.pop(_NHOP - 1).wait()
        h_out[_NHOP - 1] = pltpu.async_copy(
            bl, tbl_sh.at[pl.ds(hop_off[_NHOP - 1], _HOP)], sl)
        h_out.pop(_NHOP - 2).wait()
        h_out.pop(_NHOP - 1).wait()
        cp_ids.wait()
        plsc.subcore_barrier()

        def fire(k, c):
            pltpu.async_copy(tbl_sh.at[raw_v.at[pl.ds(k * _C, _C)]],
                             va_v.at[pl.ds(k * _C, _C)], sem_s1)
            return c

        lax.fori_loop(0, _NCHUNK, fire, 0)

        def drain(k, c):
            pltpu.make_async_copy(table_hbm.at[pl.ds(0, _C)],
                                  va_v.at[pl.ds(0, _C)], sem_s1).wait()
            return c

        lax.fori_loop(0, _NCHUNK, drain, 0)
        pltpu.sync_copy(va_v, out_hbm.at[pl.ds(base, _B_PER_W)])

    return gather_kernel


_gather = _build()


def kernel(ids, kernel):
    out = _gather(ids, kernel)
    return out.reshape(_NNZ, 1)

# --- scband reference (transcript-rebuilt; emitter-appended) ---
"""Pipeline reference for scband-sparse-slice-87522843561442 (READ-ONLY COPY).

The authoritative reference and input builder live on the scoring server;
editing this copy changes nothing except your own understanding.
"""

import jax, jax.numpy as jnp
import numpy as np

NUM_BUCKETS = 1000000
NNZ = 819200

def setup_inputs(seed: int = 0) -> dict:
    key = jax.random.key(seed)
    k1, k2 = jax.random.split(key)
    # sparse tensor values after feature-column transform are bucket ids in [0, num_buckets)
    ids = jax.random.randint(k1, (NNZ,), 0, NUM_BUCKETS, dtype=jnp.int32)
    # learned kernel: one scalar weight per bucket (shape (num_buckets,)), random_uniform init
    kernel = jax.random.uniform(k2, (NUM_BUCKETS,), dtype=jnp.float32, minval=-0.05, maxval=0.05)
    return {"ids": ids, "kernel": kernel}

def reference(ids, kernel):
    # feature column _transform_input_tensor: map raw ids into bucket range (identity/mod)
    bucket_ids = jnp.mod(ids, NUM_BUCKETS)
    # tf.gather(self.kernel, ids.values)
    gathered = jnp.take(kernel, bucket_ids, axis=0)
    # tf.expand_dims(gathered, axis=1)
    return jnp.expand_dims(gathered, axis=1)

if __name__ == "__main__":
    import jax
    _d = setup_inputs()
    print(jax.jit(kernel)(*tuple(_d.values())))

</pallas_src>

<mosaic_0001>
#map = affine_map<(d0, d1) -> (0)>
module attributes {stable_mosaic.version = 14 : i64} {
  func.func @gather_kernel(%arg0: i32, %arg1: i32, %arg2: memref<819200xi32, #tpu.memory_space<hbm>>, %arg3: memref<1000000xf32, #tpu.memory_space<hbm>>, %arg4: memref<819200xf32, #tpu.memory_space<hbm>>, %arg5: memref<25600xi32, #tpu.memory_space<vmem>>, %arg6: memref<25600xf32, #tpu.memory_space<vmem>>, %arg7: memref<8000xf32, #tpu.memory_space<vmem>>, %arg8: memref<8000xf32, #tpu.memory_space<vmem>>, %arg9: memref<1000000xf32, #tpu.memory_space<vmem_shared>>, %arg10: memref<!tpu.dma_semaphore, #tpu.memory_space<semaphore_mem>>, %arg11: memref<!tpu.dma_semaphore, #tpu.memory_space<semaphore_mem>>, %arg12: memref<!tpu.dma_semaphore, #tpu.memory_space<semaphore_mem>>, %arg13: memref<!tpu.dma_semaphore, #tpu.memory_space<semaphore_mem>>, %arg14: memref<!tpu.dma_semaphore, #tpu.memory_space<semaphore_mem>>, %arg15: memref<!tpu.dma_semaphore, #tpu.memory_space<semaphore_mem>>) attributes {dimension_semantics = [#tpu.dimension_semantics<core_parallel>, #tpu.dimension_semantics<subcore_parallel>], iteration_bounds = array<i64: 2, 16>, scalar_prefetch = 0 : i64, scratch_operands = 11 : i64, tpu.core_type = #tpu.core_type<sc_vector_subcore>, window_params = [{transform_indices = #map}, {transform_indices = #map}, {transform_indices = #map}]} {
    %mul3A = arith.constant 2 : i32
    %mul3A_0 = arith.muli %arg1, %mul3A : i32
    %add3A = arith.addi %mul3A_0, %arg0 : i32
    %mul3A_1 = arith.constant 25600 : i32
    %mul3A_2 = arith.muli %add3A, %mul3A_1 : i32
    %dma_start3A = tpu.memref_slice %arg2[%mul3A_2] : memref<819200xi32, #tpu.memory_space<hbm>> -> memref<25600xi32, #tpu.memory_space<hbm>>
    %dma_start3A_3 = tpu.memref_slice %arg2[%mul3A_2] : memref<819200xi32, #tpu.memory_space<hbm>> -> memref<25600xi32, #tpu.memory_space<hbm>>
    tpu.enqueue_dma source(%dma_start3A_3 : memref<25600xi32, #tpu.memory_space<hbm>>) target(%arg5 : memref<25600xi32, #tpu.memory_space<vmem>>) target_semaphore(%arg10 : memref<!tpu.dma_semaphore, #tpu.memory_space<semaphore_mem>>)
    %lt3A = arith.constant 15 : i32
    %lt3A_4 = arith.cmpi slt, %arg1, %lt3A : i32
    %mul3A_5 = arith.constant 62504 : i32
    %mul3A_6 = arith.muli %arg1, %mul3A_5 : i32
    %jit3A = arith.constant 937496 : i32
    %select_n3A = arith.select %lt3A_4, %mul3A_6, %jit3A : i32
    %add3A_7 = arith.constant 0 : i32
    %add3A_8 = arith.addi %select_n3A, %add3A_7 : i32
    %add3A_9 = arith.constant 8000 : i32
    %add3A_10 = arith.addi %select_n3A, %add3A_9 : i32
    %add3A_11 = arith.constant 16000 : i32
    %add3A_12 = arith.addi %select_n3A, %add3A_11 : i32
    %add3A_13 = arith.constant 24000 : i32
    %add3A_14 = arith.addi %select_n3A, %add3A_13 : i32
    %add3A_15 = arith.constant 32000 : i32
    %add3A_16 = arith.addi %select_n3A, %add3A_15 : i32
    %add3A_17 = arith.constant 40000 : i32
    %add3A_18 = arith.addi %select_n3A, %add3A_17 : i32
    %add3A_19 = arith.constant 48000 : i32
    %add3A_20 = arith.addi %select_n3A, %add3A_19 : i32
    %add3A_21 = arith.constant 54504 : i32
    %add3A_22 = arith.addi %select_n3A, %add3A_21 : i32
    %dma_start3A_23 = tpu.memref_slice %arg3[%add3A_8] : memref<1000000xf32, #tpu.memory_space<hbm>> -> memref<8000xf32, #tpu.memory_space<hbm>>
    %dma_start3A_24 = tpu.memref_slice %arg3[%add3A_8] : memref<1000000xf32, #tpu.memory_space<hbm>> -> memref<8000xf32, #tpu.memory_space<hbm>>
    tpu.enqueue_dma source(%dma_start3A_24 : memref<8000xf32, #tpu.memory_space<hbm>>) target(%arg7 : memref<8000xf32, #tpu.memory_space<vmem>>) target_semaphore(%arg12 : memref<!tpu.dma_semaphore, #tpu.memory_space<semaphore_mem>>)
    %dma_start3A_25 = tpu.memref_slice %arg3[%add3A_10] : memref<1000000xf32, #tpu.memory_space<hbm>> -> memref<8000xf32, #tpu.memory_space<hbm>>
    %dma_start3A_26 = tpu.memref_slice %arg3[%add3A_10] : memref<1000000xf32, #tpu.memory_space<hbm>> -> memref<8000xf32, #tpu.memory_space<hbm>>
    tpu.enqueue_dma source(%dma_start3A_26 : memref<8000xf32, #tpu.memory_space<hbm>>) target(%arg8 : memref<8000xf32, #tpu.memory_space<vmem>>) target_semaphore(%arg13 : memref<!tpu.dma_semaphore, #tpu.memory_space<semaphore_mem>>)
    %dma_wait3A = tpu.memref_slice %arg3[%add3A_8] : memref<1000000xf32, #tpu.memory_space<hbm>> -> memref<8000xf32, #tpu.memory_space<hbm>>
    %dma_wait3A_27 = tpu.memref_slice %arg3[%add3A_8] : memref<1000000xf32, #tpu.memory_space<hbm>> -> memref<8000xf32, #tpu.memory_space<hbm>>
    tpu.wait_dma2 semaphore(%arg12 : memref<!tpu.dma_semaphore, #tpu.memory_space<semaphore_mem>>) src(%dma_wait3A_27 : memref<8000xf32, #tpu.memory_space<hbm>>) dst(%arg7 : memref<8000xf32, #tpu.memory_space<vmem>>)
    %dma_start3A_28 = tpu.memref_slice %arg9[%add3A_8] : memref<1000000xf32, #tpu.memory_space<vmem_shared>> -> memref<8000xf32, #tpu.memory_space<vmem_shared>>
    %dma_start3A_29 = tpu.memref_slice %arg9[%add3A_8] : memref<1000000xf32, #tpu.memory_space<vmem_shared>> -> memref<8000xf32, #tpu.memory_space<vmem_shared>>
    tpu.enqueue_dma source(%arg7 : memref<8000xf32, #tpu.memory_space<vmem>>) target(%dma_start3A_29 : memref<8000xf32, #tpu.memory_space<vmem_shared>>) target_semaphore(%arg14 : memref<!tpu.dma_semaphore, #tpu.memory_space<semaphore_mem>>)
    %dma_wait3A_30 = tpu.memref_slice %arg9[%add3A_8] : memref<1000000xf32, #tpu.memory_space<vmem_shared>> -> memref<8000xf32, #tpu.memory_space<vmem_shared>>
    %dma_wait3A_31 = tpu.memref_slice %arg9[%add3A_8] : memref<1000000xf32, #tpu.memory_space<vmem_shared>> -> memref<8000xf32, #tpu.memory_space<vmem_shared>>
    tpu.wait_dma2 semaphore(%arg14 : memref<!tpu.dma_semaphore, #tpu.memory_space<semaphore_mem>>) src(%arg7 : memref<8000xf32, #tpu.memory_space<vmem>>) dst(%dma_wait3A_31 : memref<8000xf32, #tpu.memory_space<vmem_shared>>)
    %dma_start3A_32 = tpu.memref_slice %arg3[%add3A_12] : memref<1000000xf32, #tpu.memory_space<hbm>> -> memref<8000xf32, #tpu.memory_space<hbm>>
    %dma_start3A_33 = tpu.memref_slice %arg3[%add3A_12] : memref<1000000xf32, #tpu.memory_space<hbm>> -> memref<8000xf32, #tpu.memory_space<hbm>>
    tpu.enqueue_dma source(%dma_start3A_33 : memref<8000xf32, #tpu.memory_space<hbm>>) target(%arg7 : memref<8000xf32, #tpu.memory_space<vmem>>) target_semaphore(%arg12 : memref<!tpu.dma_semaphore, #tpu.memory_space<semaphore_mem>>)
    %dma_wait3A_34 = tpu.memref_slice %arg3[%add3A_10] : memref<1000000xf32, #tpu.memory_space<hbm>> -> memref<8000xf32, #tpu.memory_space<hbm>>
    %dma_wait3A_35 = tpu.memref_slice %arg3[%add3A_10] : memref<1000000xf32, #tpu.memory_space<hbm>> -> memref<8000xf32, #tpu.memory_space<hbm>>
    tpu.wait_dma2 semaphore(%arg13 : memref<!tpu.dma_semaphore, #tpu.memory_space<semaphore_mem>>) src(%dma_wait3A_35 : memref<8000xf32, #tpu.memory_space<hbm>>) dst(%arg8 : memref<8000xf32, #tpu.memory_space<vmem>>)
    %dma_start3A_36 = tpu.memref_slice %arg9[%add3A_10] : memref<1000000xf32, #tpu.memory_space<vmem_shared>> -> memref<8000xf32, #tpu.memory_space<vmem_shared>>
    %dma_start3A_37 = tpu.memref_slice %arg9[%add3A_10] : memref<1000000xf32, #tpu.memory_space<vmem_shared>> -> memref<8000xf32, #tpu.memory_space<vmem_shared>>
    tpu.enqueue_dma source(%arg8 : memref<8000xf32, #tpu.memory_space<vmem>>) target(%dma_start3A_37 : memref<8000xf32, #tpu.memory_space<vmem_shared>>) target_semaphore(%arg15 : memref<!tpu.dma_semaphore, #tpu.memory_space<semaphore_mem>>)
    %dma_wait3A_38 = tpu.memref_slice %arg9[%add3A_10] : memref<1000000xf32, #tpu.memory_space<vmem_shared>> -> memref<8000xf32, #tpu.memory_space<vmem_shared>>
    %dma_wait3A_39 = tpu.memref_slice %arg9[%add3A_10] : memref<1000000xf32, #tpu.memory_space<vmem_shared>> -> memref<8000xf32, #tpu.memory_space<vmem_shared>>
    tpu.wait_dma2 semaphore(%arg15 : memref<!tpu.dma_semaphore, #tpu.memory_space<semaphore_mem>>) src(%arg8 : memref<8000xf32, #tpu.memory_space<vmem>>) dst(%dma_wait3A_39 : memref<8000xf32, #tpu.memory_space<vmem_shared>>)
    %dma_start3A_40 = tpu.memref_slice %arg3[%add3A_14] : memref<1000000xf32, #tpu.memory_space<hbm>> -> memref<8000xf32, #tpu.memory_space<hbm>>
    %dma_start3A_41 = tpu.memref_slice %arg3[%add3A_14] : memref<1000000xf32, #tpu.memory_space<hbm>> -> memref<8000xf32, #tpu.memory_space<hbm>>
    tpu.enqueue_dma source(%dma_start3A_41 : memref<8000xf32, #tpu.memory_space<hbm>>) target(%arg8 : memref<8000xf32, #tpu.memory_space<vmem>>) target_semaphore(%arg13 : memref<!tpu.dma_semaphore, #tpu.memory_space<semaphore_mem>>)
    %dma_wait3A_42 = tpu.memref_slice %arg3[%add3A_12] : memref<1000000xf32, #tpu.memory_space<hbm>> -> memref<8000xf32, #tpu.memory_space<hbm>>
    %dma_wait3A_43 = tpu.memref_slice %arg3[%add3A_12] : memref<1000000xf32, #tpu.memory_space<hbm>> -> memref<8000xf32, #tpu.memory_space<hbm>>
    tpu.wait_dma2 semaphore(%arg12 : memref<!tpu.dma_semaphore, #tpu.memory_space<semaphore_mem>>) src(%dma_wait3A_43 : memref<8000xf32, #tpu.memory_space<hbm>>) dst(%arg7 : memref<8000xf32, #tpu.memory_space<vmem>>)
    %dma_start3A_44 = tpu.memref_slice %arg9[%add3A_12] : memref<1000000xf32, #tpu.memory_space<vmem_shared>> -> memref<8000xf32, #tpu.memory_space<vmem_shared>>
    %dma_start3A_45 = tpu.memref_slice %arg9[%add3A_12] : memref<1000000xf32, #tpu.memory_space<vmem_shared>> -> memref<8000xf32, #tpu.memory_space<vmem_shared>>
    tpu.enqueue_dma source(%arg7 : memref<8000xf32, #tpu.memory_space<vmem>>) target(%dma_start3A_45 : memref<8000xf32, #tpu.memory_space<vmem_shared>>) target_semaphore(%arg14 : memref<!tpu.dma_semaphore, #tpu.memory_space<semaphore_mem>>)
    %dma_wait3A_46 = tpu.memref_slice %arg9[%add3A_12] : memref<1000000xf32, #tpu.memory_space<vmem_shared>> -> memref<8000xf32, #tpu.memory_space<vmem_shared>>
    %dma_wait3A_47 = tpu.memref_slice %arg9[%add3A_12] : memref<1000000xf32, #tpu.memory_space<vmem_shared>> -> memref<8000xf32, #tpu.memory_space<vmem_shared>>
    tpu.wait_dma2 semaphore(%arg14 : memref<!tpu.dma_semaphore, #tpu.memory_space<semaphore_mem>>) src(%arg7 : memref<8000xf32, #tpu.memory_space<vmem>>) dst(%dma_wait3A_47 : memref<8000xf32, #tpu.memory_space<vmem_shared>>)
    %dma_start3A_48 = tpu.memref_slice %arg3[%add3A_16] : memref<1000000xf32, #tpu.memory_space<hbm>> -> memref<8000xf32, #tpu.memory_space<hbm>>
    %dma_start3A_49 = tpu.memref_slice %arg3[%add3A_16] : memref<1000000xf32, #tpu.memory_space<hbm>> -> memref<8000xf32, #tpu.memory_space<hbm>>
    tpu.enqueue_dma source(%dma_start3A_49 : memref<8000xf32, #tpu.memory_space<hbm>>) target(%arg7 : memref<8000xf32, #tpu.memory_space<vmem>>) target_semaphore(%arg12 : memref<!tpu.dma_semaphore, #tpu.memory_space<semaphore_mem>>)
    %dma_wait3A_50 = tpu.memref_slice %arg3[%add3A_14] : memref<1000000xf32, #tpu.memory_space<hbm>> -> memref<8000xf32, #tpu.memory_space<hbm>>
    %dma_wait3A_51 = tpu.memref_slice %arg3[%add3A_14] : memref<1000000xf32, #tpu.memory_space<hbm>> -> memref<8000xf32, #tpu.memory_space<hbm>>
    tpu.wait_dma2 semaphore(%arg13 : memref<!tpu.dma_semaphore, #tpu.memory_space<semaphore_mem>>) src(%dma_wait3A_51 : memref<8000xf32, #tpu.memory_space<hbm>>) dst(%arg8 : memref<8000xf32, #tpu.memory_space<vmem>>)
    %dma_start3A_52 = tpu.memref_slice %arg9[%add3A_14] : memref<1000000xf32, #tpu.memory_space<vmem_shared>> -> memref<8000xf32, #tpu.memory_space<vmem_shared>>
    %dma_start3A_53 = tpu.memref_slice %arg9[%add3A_14] : memref<1000000xf32, #tpu.memory_space<vmem_shared>> -> memref<8000xf32, #tpu.memory_space<vmem_shared>>
    tpu.enqueue_dma source(%arg8 : memref<8000xf32, #tpu.memory_space<vmem>>) target(%dma_start3A_53 : memref<8000xf32, #tpu.memory_space<vmem_shared>>) target_semaphore(%arg15 : memref<!tpu.dma_semaphore, #tpu.memory_space<semaphore_mem>>)
    %dma_wait3A_54 = tpu.memref_slice %arg9[%add3A_14] : memref<1000000xf32, #tpu.memory_space<vmem_shared>> -> memref<8000xf32, #tpu.memory_space<vmem_shared>>
    %dma_wait3A_55 = tpu.memref_slice %arg9[%add3A_14] : memref<1000000xf32, #tpu.memory_space<vmem_shared>> -> memref<8000xf32, #tpu.memory_space<vmem_shared>>
    tpu.wait_dma2 semaphore(%arg15 : memref<!tpu.dma_semaphore, #tpu.memory_space<semaphore_mem>>) src(%arg8 : memref<8000xf32, #tpu.memory_space<vmem>>) dst(%dma_wait3A_55 : memref<8000xf32, #tpu.memory_space<vmem_shared>>)
    %dma_start3A_56 = tpu.memref_slice %arg3[%add3A_18] : memref<1000000xf32, #tpu.memory_space<hbm>> -> memref<8000xf32, #tpu.memory_space<hbm>>
    %dma_start3A_57 = tpu.memref_slice %arg3[%add3A_18] : memref<1000000xf32, #tpu.memory_space<hbm>> -> memref<8000xf32, #tpu.memory_space<hbm>>
    tpu.enqueue_dma source(%dma_start3A_57 : memref<8000xf32, #tpu.memory_space<hbm>>) target(%arg8 : memref<8000xf32, #tpu.memory_space<vmem>>) target_semaphore(%arg13 : memref<!tpu.dma_semaphore, #tpu.memory_space<semaphore_mem>>)
    %dma_wait3A_58 = tpu.memref_slice %arg3[%add3A_16] : memref<1000000xf32, #tpu.memory_space<hbm>> -> memref<8000xf32, #tpu.memory_space<hbm>>
    %dma_wait3A_59 = tpu.memref_slice %arg3[%add3A_16] : memref<1000000xf32, #tpu.memory_space<hbm>> -> memref<8000xf32, #tpu.memory_space<hbm>>
    tpu.wait_dma2 semaphore(%arg12 : memref<!tpu.dma_semaphore, #tpu.memory_space<semaphore_mem>>) src(%dma_wait3A_59 : memref<8000xf32, #tpu.memory_space<hbm>>) dst(%arg7 : memref<8000xf32, #tpu.memory_space<vmem>>)
    %dma_start3A_60 = tpu.memref_slice %arg9[%add3A_16] : memref<1000000xf32, #tpu.memory_space<vmem_shared>> -> memref<8000xf32, #tpu.memory_space<vmem_shared>>
    %dma_start3A_61 = tpu.memref_slice %arg9[%add3A_16] : memref<1000000xf32, #tpu.memory_space<vmem_shared>> -> memref<8000xf32, #tpu.memory_space<vmem_shared>>
    tpu.enqueue_dma source(%arg7 : memref<8000xf32, #tpu.memory_space<vmem>>) target(%dma_start3A_61 : memref<8000xf32, #tpu.memory_space<vmem_shared>>) target_semaphore(%arg14 : memref<!tpu.dma_semaphore, #tpu.memory_space<semaphore_mem>>)
    %dma_wait3A_62 = tpu.memref_slice %arg9[%add3A_16] : memref<1000000xf32, #tpu.memory_space<vmem_shared>> -> memref<8000xf32, #tpu.memory_space<vmem_shared>>
    %dma_wait3A_63 = tpu.memref_slice %arg9[%add3A_16] : memref<1000000xf32, #tpu.memory_space<vmem_shared>> -> memref<8000xf32, #tpu.memory_space<vmem_shared>>
    tpu.wait_dma2 semaphore(%arg14 : memref<!tpu.dma_semaphore, #tpu.memory_space<semaphore_mem>>) src(%arg7 : memref<8000xf32, #tpu.memory_space<vmem>>) dst(%dma_wait3A_63 : memref<8000xf32, #tpu.memory_space<vmem_shared>>)
    %dma_start3A_64 = tpu.memref_slice %arg3[%add3A_20] : memref<1000000xf32, #tpu.memory_space<hbm>> -> memref<8000xf32, #tpu.memory_space<hbm>>
    %dma_start3A_65 = tpu.memref_slice %arg3[%add3A_20] : memref<1000000xf32, #tpu.memory_space<hbm>> -> memref<8000xf32, #tpu.memory_space<hbm>>
    tpu.enqueue_dma source(%dma_start3A_65 : memref<8000xf32, #tpu.memory_space<hbm>>) target(%arg7 : memref<8000xf32, #tpu.memory_space<vmem>>) target_semaphore(%arg12 : memref<!tpu.dma_semaphore, #tpu.memory_space<semaphore_mem>>)
    %dma_wait3A_66 = tpu.memref_slice %arg3[%add3A_18] : memref<1000000xf32, #tpu.memory_space<hbm>> -> memref<8000xf32, #tpu.memory_space<hbm>>
    %dma_wait3A_67 = tpu.memref_slice %arg3[%add3A_18] : memref<1000000xf32, #tpu.memory_space<hbm>> -> memref<8000xf32, #tpu.memory_space<hbm>>
    tpu.wait_dma2 semaphore(%arg13 : memref<!tpu.dma_semaphore, #tpu.memory_space<semaphore_mem>>) src(%dma_wait3A_67 : memref<8000xf32, #tpu.memory_space<hbm>>) dst(%arg8 : memref<8000xf32, #tpu.memory_space<vmem>>)
    %dma_start3A_68 = tpu.memref_slice %arg9[%add3A_18] : memref<1000000xf32, #tpu.memory_space<vmem_shared>> -> memref<8000xf32, #tpu.memory_space<vmem_shared>>
    %dma_start3A_69 = tpu.memref_slice %arg9[%add3A_18] : memref<1000000xf32, #tpu.memory_space<vmem_shared>> -> memref<8000xf32, #tpu.memory_space<vmem_shared>>
    tpu.enqueue_dma source(%arg8 : memref<8000xf32, #tpu.memory_space<vmem>>) target(%dma_start3A_69 : memref<8000xf32, #tpu.memory_space<vmem_shared>>) target_semaphore(%arg15 : memref<!tpu.dma_semaphore, #tpu.memory_space<semaphore_mem>>)
    %dma_wait3A_70 = tpu.memref_slice %arg9[%add3A_18] : memref<1000000xf32, #tpu.memory_space<vmem_shared>> -> memref<8000xf32, #tpu.memory_space<vmem_shared>>
    %dma_wait3A_71 = tpu.memref_slice %arg9[%add3A_18] : memref<1000000xf32, #tpu.memory_space<vmem_shared>> -> memref<8000xf32, #tpu.memory_space<vmem_shared>>
    tpu.wait_dma2 semaphore(%arg15 : memref<!tpu.dma_semaphore, #tpu.memory_space<semaphore_mem>>) src(%arg8 : memref<8000xf32, #tpu.memory_space<vmem>>) dst(%dma_wait3A_71 : memref<8000xf32, #tpu.memory_space<vmem_shared>>)
    %dma_start3A_72 = tpu.memref_slice %arg3[%add3A_22] : memref<1000000xf32, #tpu.memory_space<hbm>> -> memref<8000xf32, #tpu.memory_space<hbm>>
    %dma_start3A_73 = tpu.memref_slice %arg3[%add3A_22] : memref<1000000xf32, #tpu.memory_space<hbm>> -> memref<8000xf32, #tpu.memory_space<hbm>>
    tpu.enqueue_dma source(%dma_start3A_73 : memref<8000xf32, #tpu.memory_space<hbm>>) target(%arg8 : memref<8000xf32, #tpu.memory_space<vmem>>) target_semaphore(%arg13 : memref<!tpu.dma_semaphore, #tpu.memory_space<semaphore_mem>>)
    %dma_wait3A_74 = tpu.memref_slice %arg3[%add3A_20] : memref<1000000xf32, #tpu.memory_space<hbm>> -> memref<8000xf32, #tpu.memory_space<hbm>>
    %dma_wait3A_75 = tpu.memref_slice %arg3[%add3A_20] : memref<1000000xf32, #tpu.memory_space<hbm>> -> memref<8000xf32, #tpu.memory_space<hbm>>
    tpu.wait_dma2 semaphore(%arg12 : memref<!tpu.dma_semaphore, #tpu.memory_space<semaphore_mem>>) src(%dma_wait3A_75 : memref<8000xf32, #tpu.memory_space<hbm>>) dst(%arg7 : memref<8000xf32, #tpu.memory_space<vmem>>)
    %dma_start3A_76 = tpu.memref_slice %arg9[%add3A_20] : memref<1000000xf32, #tpu.memory_space<vmem_shared>> -> memref<8000xf32, #tpu.memory_space<vmem_shared>>
    %dma_start3A_77 = tpu.memref_slice %arg9[%add3A_20] : memref<1000000xf32, #tpu.memory_space<vmem_shared>> -> memref<8000xf32, #tpu.memory_space<vmem_shared>>
    tpu.enqueue_dma source(%arg7 : memref<8000xf32, #tpu.memory_space<vmem>>) target(%dma_start3A_77 : memref<8000xf32, #tpu.memory_space<vmem_shared>>) target_semaphore(%arg14 : memref<!tpu.dma_semaphore, #tpu.memory_space<semaphore_mem>>)
    %dma_wait3A_78 = tpu.memref_slice %arg3[%add3A_22] : memref<1000000xf32, #tpu.memory_space<hbm>> -> memref<8000xf32, #tpu.memory_space<hbm>>
    %dma_wait3A_79 = tpu.memref_slice %arg3[%add3A_22] : memref<1000000xf32, #tpu.memory_space<hbm>> -> memref<8000xf32, #tpu.memory_space<hbm>>
    tpu.wait_dma2 semaphore(%arg13 : memref<!tpu.dma_semaphore, #tpu.memory_space<semaphore_mem>>) src(%dma_wait3A_79 : memref<8000xf32, #tpu.memory_space<hbm>>) dst(%arg8 : memref<8000xf32, #tpu.memory_space<vmem>>)
    %dma_start3A_80 = tpu.memref_slice %arg9[%add3A_22] : memref<1000000xf32, #tpu.memory_space<vmem_shared>> -> memref<8000xf32, #tpu.memory_space<vmem_shared>>
    %dma_start3A_81 = tpu.memref_slice %arg9[%add3A_22] : memref<1000000xf32, #tpu.memory_space<vmem_shared>> -> memref<8000xf32, #tpu.memory_space<vmem_shared>>
    tpu.enqueue_dma source(%arg8 : memref<8000xf32, #tpu.memory_space<vmem>>) target(%dma_start3A_81 : memref<8000xf32, #tpu.memory_space<vmem_shared>>) target_semaphore(%arg15 : memref<!tpu.dma_semaphore, #tpu.memory_space<semaphore_mem>>)
    %dma_wait3A_82 = tpu.memref_slice %arg9[%add3A_20] : memref<1000000xf32, #tpu.memory_space<vmem_shared>> -> memref<8000xf32, #tpu.memory_space<vmem_shared>>
    %dma_wait3A_83 = tpu.memref_slice %arg9[%add3A_20] : memref<1000000xf32, #tpu.memory_space<vmem_shared>> -> memref<8000xf32, #tpu.memory_space<vmem_shared>>
    tpu.wait_dma2 semaphore(%arg14 : memref<!tpu.dma_semaphore, #tpu.memory_space<semaphore_mem>>) src(%arg7 : memref<8000xf32, #tpu.memory_space<vmem>>) dst(%dma_wait3A_83 : memref<8000xf32, #tpu.memory_space<vmem_shared>>)
    %dma_wait3A_84 = tpu.memref_slice %arg9[%add3A_22] : memref<1000000xf32, #tpu.memory_space<vmem_shared>> -> memref<8000xf32, #tpu.memory_space<vmem_shared>>
    %dma_wait3A_85 = tpu.memref_slice %arg9[%add3A_22] : memref<1000000xf32, #tpu.memory_space<vmem_shared>> -> memref<8000xf32, #tpu.memory_space<vmem_shared>>
    tpu.wait_dma2 semaphore(%arg15 : memref<!tpu.dma_semaphore, #tpu.memory_space<semaphore_mem>>) src(%arg8 : memref<8000xf32, #tpu.memory_space<vmem>>) dst(%dma_wait3A_85 : memref<8000xf32, #tpu.memory_space<vmem_shared>>)
    %dma_wait3A_86 = tpu.memref_slice %arg2[%mul3A_2] : memref<819200xi32, #tpu.memory_space<hbm>> -> memref<25600xi32, #tpu.memory_space<hbm>>
    %dma_wait3A_87 = tpu.memref_slice %arg2[%mul3A_2] : memref<819200xi32, #tpu.memory_space<hbm>> -> memref<25600xi32, #tpu.memory_space<hbm>>
    tpu.wait_dma2 semaphore(%arg10 : memref<!tpu.dma_semaphore, #tpu.memory_space<semaphore_mem>>) src(%dma_wait3A_87 : memref<25600xi32, #tpu.memory_space<hbm>>) dst(%arg5 : memref<25600xi32, #tpu.memory_space<vmem>>)
    %barrier3A = arith.constant 0 : index
    tpu.barrier barrier_id(%barrier3A)
    %scan3A = arith.constant 0 : i32
    %scan3A_88 = arith.constant 0 : i32
    %scan3A_89 = arith.constant 4 : i32
    %scan3A_90 = arith.addi %scan3A_88, %scan3A_89 : i32
    %scan3A_91 = arith.constant 1 : i32
    scf.for %scan3A_99 = %scan3A_88 to %scan3A_90 step %scan3A_91  : i32 {
      %mul3A_100 = arith.constant 6400 : i32
      %mul3A_101 = arith.muli %scan3A_99, %mul3A_100 : i32
      %mul3A_102 = arith.constant 6400 : i32
      %mul3A_103 = arith.muli %scan3A_99, %mul3A_102 : i32
      %dma_start3A_104 = tpu.memref_slice %arg6[%mul3A_103] : memref<25600xf32, #tpu.memory_space<vmem>> -> memref<6400xf32, #tpu.memory_space<vmem>>
      %dma_start3A_105 = tpu.memref_slice %arg5[%mul3A_101] : memref<25600xi32, #tpu.memory_space<vmem>> -> memref<6400xi32, #tpu.memory_space<vmem>>
      %dma_start3A_106 = arith.constant 0 : i32
      %dma_start3A_107 = tpu.memref_slice %arg9[%dma_start3A_106] : memref<1000000xf32, #tpu.memory_space<vmem_shared>> -> memref<1000000xf32, #tpu.memory_space<vmem_shared>>
      tpu.enqueue_indirect_dma source(%dma_start3A_107 : memref<1000000xf32, #tpu.memory_space<vmem_shared>>) target(%dma_start3A_104 : memref<6400xf32, #tpu.memory_space<vmem>>) offsets(%dma_start3A_105 : memref<6400xi32, #tpu.memory_space<vmem>>) semaphore(%arg11 : memref<!tpu.dma_semaphore, #tpu.memory_space<semaphore_mem>>)
    }
    %scan3A_92 = arith.constant 4 : i32
    %scan3A_93 = arith.constant 0 : i32
    %scan3A_94 = arith.constant 0 : i32
    %scan3A_95 = arith.constant 4 : i32
    %scan3A_96 = arith.addi %scan3A_94, %scan3A_95 : i32
    %scan3A_97 = arith.constant 1 : i32
    scf.for %scan3A_99 = %scan3A_94 to %scan3A_96 step %scan3A_97  : i32 {
      %dma_wait3A_100 = arith.constant 0 : i32
      %dma_wait3A_101 = tpu.memref_slice %arg6[%dma_wait3A_100] : memref<25600xf32, #tpu.memory_space<vmem>> -> memref<6400xf32, #tpu.memory_space<vmem>>
      %dma_wait3A_102 = arith.constant 0 : i32
      %dma_wait3A_103 = tpu.memref_slice %arg3[%dma_wait3A_102] : memref<1000000xf32, #tpu.memory_space<hbm>> -> memref<6400xf32, #tpu.memory_space<hbm>>
      %dma_wait3A_104 = arith.constant 0 : i32
      %dma_wait3A_105 = tpu.memref_slice %arg6[%dma_wait3A_104] : memref<25600xf32, #tpu.memory_space<vmem>> -> memref<6400xf32, #tpu.memory_space<vmem>>
      %dma_wait3A_106 = arith.constant 0 : i32
      %dma_wait3A_107 = tpu.memref_slice %arg3[%dma_wait3A_106] : memref<1000000xf32, #tpu.memory_space<hbm>> -> memref<6400xf32, #tpu.memory_space<hbm>>
      tpu.wait_dma2 semaphore(%arg11 : memref<!tpu.dma_semaphore, #tpu.memory_space<semaphore_mem>>) src(%dma_wait3A_107 : memref<6400xf32, #tpu.memory_space<hbm>>) dst(%dma_wait3A_105 : memref<6400xf32, #tpu.memory_space<vmem>>)
    }
    %scan3A_98 = arith.constant 4 : i32
    "tpu.region"() ({
      %run_scoped3A = tpu.sem_alloc : memref<!tpu.dma_semaphore, #tpu.memory_space<semaphore_mem>>
      %dma_start3A_99 = tpu.memref_slice %arg4[%mul3A_2] : memref<819200xf32, #tpu.memory_space<hbm>> -> memref<25600xf32, #tpu.memory_space<hbm>>
      %dma_start3A_100 = tpu.memref_slice %arg4[%mul3A_2] : memref<819200xf32, #tpu.memory_space<hbm>> -> memref<25600xf32, #tpu.memory_space<hbm>>
      tpu.enqueue_dma source(%arg6 : memref<25600xf32, #tpu.memory_space<vmem>>) target(%dma_start3A_100 : memref<25600xf32, #tpu.memory_space<hbm>>) target_semaphore(%run_scoped3A : memref<!tpu.dma_semaphore, #tpu.memory_space<semaphore_mem>>)
      %dma_wait3A_101 = tpu.memref_slice %arg4[%mul3A_2] : memref<819200xf32, #tpu.memory_space<hbm>> -> memref<25600xf32, #tpu.memory_space<hbm>>
      %dma_wait3A_102 = tpu.memref_slice %arg4[%mul3A_2] : memref<819200xf32, #tpu.memory_space<hbm>> -> memref<25600xf32, #tpu.memory_space<hbm>>
      tpu.wait_dma2 semaphore(%run_scoped3A : memref<!tpu.dma_semaphore, #tpu.memory_space<semaphore_mem>>) src(%arg6 : memref<25600xf32, #tpu.memory_space<vmem>>) dst(%dma_wait3A_102 : memref<25600xf32, #tpu.memory_space<hbm>>)
      tpu.yield
    }) : () -> ()
    return
  }
}

</mosaic_0001>

<sc_bundles>
// kernel: kernel.4.cloned.1.call-start
scs
__scs_entry_jumppad:
0x0: {  	(pc) =	sbr.rel $0x88, $3  }
0x1: {  	(tag) =	ssettag $0x0;
	lr =	simm.s32 $0x1  }
0x2: {  	[smem:$0x3F9F] =	sst lr;
	_ =	strace $0xD0000000  }
0x3: {  	_ = 	snop  }
0x4: {  	_ = 	snop  }
0x5: {  	_ = 	snop  }
0x6: {  	_ = 	snop  }
0x7: {  	_ = 	snop  }
__scs_overlays_trampoline_lowered:
0x8: {  	[smem:$0x3FAE] =	sst s0  }
0x9: {  	[smem:$0x3FAF] =	sst s1  }
0xa: {  	[smem:$0x3FB0] =	sst s2  }
0xb: {  	[smem:$0x3FB1] =	sst s3  }
0xc: {  	[smem:$0x3FB2] =	sst s4  }
0xd: {  	[smem:$0x3FB3] =	sst s5  }
0xe: {  	[smem:$0x3FB4] =	sst s6  }
0xf: {  	[smem:$0x3FB5] =	sst s7  }
0x10: {  	[smem:$0x3FB6] =	sst s8  }
0x11: {  	[smem:$0x3FB7] =	sst s9;
	s0 =	simm.s32 @!p0 $0x0  }
0x12: {  	s1 =	sld [smem:$0x3F9D];
	s0 =	simm.s32 @p0 $0x1  }
0x13: {  	[smem:$0x3FB8] =	sst s0;
	s0 =	simm.s32 @!p1 $0x0  }
0x14: {  	s2 =	sld [smem:$0x3F9C];
	s0 =	simm.s32 @p1 $0x1  }
0x15: {  	[smem:$0x3FB9] =	sst s0;
	s0 =	simm.s32 @!p2 $0x0  }
0x16: {  	s3 =	sld [smem:$0x3FDB];
	s0 =	simm.s32 @p2 $0x1  }
0x17: {  	s4 =	simm.s32 $0x1BF5;
	[smem:$0x3FBB] =	sst s0  }
0x18: {  	s0 =	sld [smem:$0x3F9E];
	_ =	swait.ge [sflag:s4], $0x0  }
0x19: {  	s7 =	sld [smem:$0x3F9F]  }
0x1a: {  	s8 =	sadd.s32 $0xFFFFE003, lr  }
0x1b: {  	s9 =	sadd.s32 $0xFFFFFEF7, lr;
	s5 =	simm.s32 $0xFFFFFFFF;
	p2 =	slt.u32 s8, $0xFFFFF086  }
0x1c: {  	p1 =	slt.u32 s9, $0xF7A;
	s5 =	simm.s32 @!p2 $0x0  }
0x1d: {  	s5 =	simm.s32 @p1 $0x1;
	p0 =	seq.s32 s7, s2  }
0x1e: {  	s7 =	smul.u32 @!p0 $0xF7A, s2;
	p2 =	seq.s32 @!p0 s5, $0x0  }
0x1f: {  	s9 =	smul.u32 $0xF7A, s1;
	s8 =	simm.s32 @!p0 $0x1BF5;
	p2 =	por !p2, p0  }
0x20: {  	[sflag:s8] =	ssyncset.s32 @!p0 $0xFFFFF086;
	s6 =	sadd.s32 @!p0 s3, s7;
	s7 =	simm.s32 @!p0 $0x108  }
0x21: {  	s3 =	sadd.s32 s3, s9;
	s6 =	sadd.s32 @!p0 $0x88, s6;
	s7 =	simm.s32 @p2 $0x1082  }
0x22: {  	[simem:s7], [sflag:s8] =	dma.local @!p0 [hbm:s6], $0xF7A  }
0x23: {  	s9 =	sor.u32 $0xD0000000, s2;
	s6 =	simm.s32 $0x108;
	_ =	swait.ge @!p0 [sflag:s8], $0x0  }
0x24: {  	s3 =	sadd.s32 $0x88, s3;
	s6 =	simm.s32 @!p1 $0x1082;
	[sflag:s4] =	ssyncset.s32 $0xFFFFF086  }
0x25: {  	[simem:s6], [sflag:s4] =	dma.local [hbm:s3], $0xF7A  }
0x26: {  	[smem:$0x3F9F] =	sst s1;
	(tag) =	ssettag s2;
	_ =	strace s9  }
0x27: {  	s1 =	sld [smem:$0x3FAF]  }
0x28: {  	s2 =	sld [smem:$0x3FB0]  }
0x29: {  	s4 =	sld [smem:$0x3FB2]  }
0x2a: {  	p0 =	seq.s32 s5, $0x0;
	s5 =	sld [smem:$0x3FB3]  }
0x2b: {  	s6 =	sld [smem:$0x3FB4]  }
0x2c: {  	s7 =	sld [smem:$0x3FB5]  }
0x2d: {  	s3 =	simm.s32 $0x108;
	s8 =	sld [smem:$0x3FB6]  }
0x2e: {  	s3 =	simm.s32 @!p0 $0x1082;
	s9 =	sld [smem:$0x3FB7]  }
0x2f: {  	lr =	sadd.s32 s0, s3;
	s0 =	sld [smem:$0x3FAE]  }
0x30: {  	s3 =	sld [smem:$0x3FB1]  }
0x31: {  	[smem:$0x3FBA] =	sst s10  }
0x32: {  	s10 =	sld [smem:$0x3FB8];
	_ =	sdelay $0x3  }
0x33: {  	p0 =	seq.s32 s10, $0x1;
	s10 =	sld [smem:$0x3FBA];
	_ =	sdelay $0x3  }
0x34: {  	[smem:$0x3FBA] =	sst s10  }
0x35: {  	s10 =	sld [smem:$0x3FB9];
	_ =	sdelay $0x3  }
0x36: {  	p1 =	seq.s32 s10, $0x1;
	s10 =	sld [smem:$0x3FBA];
	_ =	sdelay $0x3  }
0x37: {  	[smem:$0x3FBA] =	sst s10  }
0x38: {  	s10 =	sld [smem:$0x3FBB]  }
0x39: {  	_ = 	snop;
	(pc) =	sbr.ind lr, $3  }
0x3a: {  	_ = 	snop  }
0x3b: {  	_ = 	snop  }
0x3c: {  	p2 =	seq.s32 s10, $0x1;
	s10 =	sld [smem:$0x3FBA]  }
0x3d: {  	_ =	shalt  }
0x3e: {  	_ =	shalt  }
0x3f: {  	_ =	shalt  }
0x40: {  	_ =	shalt  }
0x41: {  	_ =	shalt  }
0x42: {  	_ =	shalt  }
0x43: {  	_ =	shalt  }
0x44: {  	_ =	shalt  }
0x45: {  	_ =	shalt  }
0x46: {  	_ =	shalt  }
0x47: {  	_ =	shalt  }
0x48: {  	_ =	shalt  }
0x49: {  	_ =	shalt  }
0x4a: {  	_ =	shalt  }
0x4b: {  	_ =	shalt  }
0x4c: {  	_ =	shalt  }
0x4d: {  	_ =	shalt  }
0x4e: {  	_ =	shalt  }
0x4f: {  	_ =	shalt  }
0x50: {  	_ =	shalt  }
0x51: {  	_ =	shalt  }
0x52: {  	_ =	shalt  }
0x53: {  	_ =	shalt  }
0x54: {  	_ =	shalt  }
0x55: {  	_ =	shalt  }
0x56: {  	_ =	shalt  }
0x57: {  	_ =	shalt  }
0x58: {  	_ =	shalt  }
0x59: {  	_ =	shalt  }
0x5a: {  	_ =	shalt  }
0x5b: {  	_ =	shalt  }
0x5c: {  	_ =	shalt  }
0x5d: {  	_ =	shalt  }
0x5e: {  	_ =	shalt  }
0x5f: {  	_ =	shalt  }
0x60: {  	_ =	shalt  }
0x61: {  	_ =	shalt  }
0x62: {  	_ =	shalt  }
0x63: {  	_ =	shalt  }
0x64: {  	_ =	shalt  }
0x65: {  	_ =	shalt  }
0x66: {  	_ =	shalt  }
0x67: {  	_ =	shalt  }
0x68: {  	_ =	shalt  }
0x69: {  	_ =	shalt  }
0x6a: {  	_ =	shalt  }
0x6b: {  	_ =	shalt  }
0x6c: {  	_ =	shalt  }
0x6d: {  	_ =	shalt  }
0x6e: {  	_ =	shalt  }
0x6f: {  	_ =	shalt  }
0x70: {  	_ =	shalt  }
0x71: {  	_ =	shalt  }
0x72: {  	_ =	shalt  }
0x73: {  	_ =	shalt  }
0x74: {  	_ =	shalt  }
0x75: {  	_ =	shalt  }
0x76: {  	_ =	shalt  }
0x77: {  	_ =	shalt  }
0x78: {  	_ =	shalt  }
0x79: {  	_ =	shalt  }
0x7a: {  	_ =	shalt  }
0x7b: {  	_ =	shalt  }
0x7c: {  	_ =	shalt  }
0x7d: {  	_ =	shalt  }
0x7e: {  	_ =	shalt  }
0x7f: {  	_ =	shalt  }
0x80: {  	_ =	shalt  }
0x81: {  	_ =	shalt  }
0x82: {  	_ =	shalt  }
0x83: {  	_ =	shalt  }
0x84: {  	_ =	shalt  }
0x85: {  	_ =	shalt  }
0x86: {  	_ =	shalt  }
0x87: {  	_ =	shalt  }
.Lfunc_end0:
.L_simem_size_0:
called_computation_lowered:
.L_overlay_start_0:
0x88: {  	s2 =	sld [smem:$0x3FD9]  }
0x89: {  	s3 =	sld [smem:$0x3FFE];
	_ =	sdelay $0x1  }
0x8a: {  	s1 =	srdreg.scid  }
0x8b: {  	s0 =	sand.u32 $0x1, s1  }
0x8c: {  	s18 =	sshll.u32 s0, $0xA;
	s2 =	sadd.s32 s3, s2  }
0x8d: {  	s2 =	sadd.s32 s2, s18  }
0x8e: {  	[smem:$0x3FC6] =	sst s2  }
0x8f: {  	_ = 	snop  }
0x90: {  	s2 =	sld [smem:$0x3FC9]  }
0x91: {  	s19 =	sld [smem:$0x3FC8]  }
0x92: {  	s4 =	sld [smem:$0x3FD0];
	(tm) =	ssettm $0x1  }
0x93: {  	s5 =	sld [smem:$0x3FFB];
	_ =	sdelay $0x3  }
0x94: {  	_ =	strace s5  }
0x95: {  	s5 =	sld [smem:$0x3FFC];
	_ =	sdelay $0x3  }
0x96: {  	_ =	strace s5  }
0x97: {  	s5 =	sld [smem:$0x3FFD];
	_ =	sdelay $0x3  }
0x98: {  	_ =	strace s5  }
0x99: {  	_ =	strace $0x8FFFFFFF  }
0x9a: {  	s20 =	sld [smem:$0x3FDB];
	_ =	sdelay $0x1  }
0x9b: {  	s6 =	simm.s32 $_scs_section_size  }
0x9c: {  	s7 =	simm.s32 $_size__tile_overlayer_lowered;
	s8 =	simm.s32 $_tile_overlayer_lowered  }
0x9d: {  	s23 =	simm.s32 $0x1BFF;
	s22 =	sshll.u32 s8, $0x1;
	s5 =	sadd.s32 s6, s20  }
0x9e: {  	s9 =	simm.s32 $0x0;
	s21 =	sshll.u32 s7, $0x1;
	s7 =	sadd.s32 s22, s5  }
0x9f: {  	[timem:s9], [sflag:s23] =	dma.local [hbm:s7], s21  }
0xa0: {  	_ =	swait.ge [sflag:s23], s21  }
0xa1: {  	s6 =	ssub.s32 $0x0, s21;
	[sflag:s23] =	ssyncset.done $0x0  }
0xa2: {  	[sflag:s23] =	ssyncadd.s32 s6;
	_ =	sdelay $0x1  }
0xa3: {  	s24 =	simm.s32 $0x1B8B  }
0xa4: {  	_ =	swait.ge [sflag:s24], $0x1  }
0xa5: {  	[sflag:s24] =	ssyncset.done $0x0  }
0xa6: {  	s25 =	simm.s32 $0x1B8E;
	[sflag:s24] =	ssyncadd.s32 $0xFFFFFFFF  }
0xa7: {  	s26 =	simm.s32 $execute0_lowered;
	[smem:$0x3FD2] =	sst s25  }
0xa8: {  	s6 =	sshll.u32 s26, $0x1;
	_ =	strace $0x80000046;
	[dreg:$0x1] =	wrdreg $0xFFFFFFFF  }
0xa9: {  	s28 =	simm.s32 $_size_execute0_lowered;
	s5 =	sadd.s32 s5, s6;
	[dreg:$0x0] =	wrdreg $0x0  }
0xaa: {  	s6 =	sshll.u32 s28, $0x1;
	[dreg:$0x2] =	wrdreg s5  }
0xab: {  	[dreg:$0x3] =	wrdreg s6  }
0xac: {  	[dreg:$0x4] =	wrdreg $0xC0  }
0xad: {  	_ =	task [dreg:s9], $0x5FFFF  }
0xae: {  	[dreg:$0x1] =	wrdreg $0xFFFFFFFF  }
0xaf: {  	[dreg:$0x0] =	wrdreg $0x60  }
0xb0: {  	[dreg:$0x2] =	wrdreg s2  }
0xb1: {  	[dreg:$0x3] =	wrdreg s19  }
0xb2: {  	[dreg:$0x4] =	wrdreg s4  }
0xb3: {  	[dreg:$0x5] =	wrdreg $0x107000  }
0xb4: {  	[dreg:$0x6] =	wrdreg $0x9  }
0xb5: {  	_ =	task.clear_ibuf [dreg:s9], $0x7FFFF;
	_ =	strace $0x90000046  }
0xb6: {  	s29 =	simm.s32 $0x9;
	_ =	strace $0x80000048  }
0xb7: {  	_ =	swait.ge [sflag:s29], $0x1  }
0xb8: {  	[sflag:s29] =	ssyncadd.s32 $0xFFFFFFFF  }
0xb9: {  	_ =	strace $0x90000048  }
0xba: {  	_ =	sfence  }
0xbb: {  	s30 =	sld [smem:$0x0];
	_ =	sdelay $0x2  }
0xbc: {  	s31 =	sshll.u32 s1, $0xD;
	s1 =	sshrl.u32 s1, $0x2  }
0xbd: {  	s3 =	sand.u32 $0x4000, s31;
	s1 =	sadd.s32 s1, s30  }
0xbe: {  	s0 =	sor.u32 s3, s0;
	s1 =	sshll.u32 s1, $0x11  }
0xbf: {  	s0 =	sor.u32 s1, s0  }
0xc0: {  	s0 =	sadd.s32 $0x8F2B, s0  }
0xc1: {  	[sflag:s0] =	ssyncadd.remote.s32 $0x1  }
0xc2: {  	_ =	sfence.sel $0xFFFF  }
0xc3: {  	[dreg:$0x0] =	wrdreg $0xFFFFFFFF;
	(pc) =	sbr.abs _section_cstart, $3  }
0xc4: {  	[dreg:$0x1] =	wrdreg $0xFFFFFFFF  }
0xc5: {  	_ =	task.clear_ibuf [dreg:s9], $0x2FFFF;
	_ =	strace $0x9FFFFFFF  }
0xc6: {  	(tm) =	ssettm $0x7FFFFFFF  }
0xc7: {  	_ =	shalt  }
tec
execute0_lowered:
.L_overlay_start_1:
0x0: {  	(tag) =	ssettag $0x1  }
0x1: {  	s0 =	rddreg [dreg:$0x0]  }
0x2: {  	s1 =	rddreg [dreg:$0x1]  }
0x3: {  	s2 =	srdreg.scid;
	s4 =	rddreg [dreg:$0x2]  }
0x4: {  	s9 =	stileid.u32;
	s3 =	rddreg [dreg:$0x3]  }
0x5: {  	s5 =	sand.u32 $0x1, s2;
	s15 =	sshll.u32 s9, $0x1;
	s2 =	simm.s32 $0x0  }
0x6: {  	s7 =	smul.u32 $0xF428, s9;
	p0 =	seq.s32 s9, $0xF;
	s6 =	sor.u32 s5, s15  }
0x7: {  	[smem:$0x7FF] =	sst s2;
	s5 =	ssub.s32 $0x2, s5;
	s6 =	smul.u32 $0xC80, s6  }
0x8: {  	_ =	strace $0x80000047;
	s8 =	sshrl.u32 s5, $0x1;
	s7 =	simm.s32 @p0 $0xE4E18  }
0x9: {  	p0 =	por $0x0, $0x0;
	s5 =	ssub.s32 s5, s8;
	s16 =	sadd.s32 $0x1F40, s7  }
0xa: {  	s17 =	sshrl.u32 s7, $0x3;
	s18 =	sadd.s32 $0x3E80, s7;
	s11 =	sadd.s32 $0x5DC0, s7  }
0xb: {  	s20 =	sadd.s32 s7, s3;
	s12 =	sadd.s32 $0x7D00, s7;
	s24 =	sadd.s32 $0x9C40, s7  }
0xc: {  	s14 =	sadd.s32 $0xBB80, s7;
	s7 =	sadd.s32 $0xD4E8, s7;
	s0 =	sadd.s32 s0, s6  }
0xd: {  	s8 =	sadd.s32 s1, s17;
	s10 =	sshrl.u32 s16, $0x3;
	s21 =	sshrl.u32 s18, $0x3  }
0xe: {  	[dreg:$0x8] =	wrdreg s20;
	s23 =	sshrl.u32 s11, $0x3;
	s31 =	sadd.s32 s18, s3  }
0xf: {  	s15 =	sshrl.u32 s12, $0x3;
	s29 =	sadd.s32 s11, s3;
	s26 =	sadd.s32 s12, s3  }
0x10: {  	s17 =	sshrl.u32 s14, $0x3;
	s18 =	sshrl.u32 s7, $0x3;
	s9 =	sadd.s32 s7, s3  }
0x11: {  	s4 =	sadd.s32 s4, s6;
	s12 =	simm.s32 $0x6;
	s11 =	simm.s32 $0x7D00  }
0x12: {  	s7 =	simm.s32 $0x2;
	s6 =	simm.s32 $0x7;
	[dreg:$0x5] =	wrdreg s0  }
0x13: {  	[dreg:$0x6] =	wrdreg s8;
	s19 =	sadd.s32 s1, s10;
	s22 =	sadd.s32 s1, s21  }
0x14: {  	s0 =	sadd.s32 s16, s3;
	s13 =	sadd.s32 s1, s23;
	s16 =	sshrl.u32 s24, $0x3  }
0x15: {  	s30 =	sadd.s32 s1, s15;
	s25 =	sadd.s32 s1, s17;
	s23 =	sadd.s32 s24, s3  }
0x16: {  	s20 =	sadd.s32 s1, s18;
	s21 =	simm.s32 $0xC800;
	s24 =	simm.s32 $0x3  }
0x17: {  	s10 =	simm.s32 $0x1;
	[dreg:$0x7] =	wrdreg s19;
	s19 =	smax.u32 s5, $0x1  }
0x18: {  	s8 =	simm.s32 $0x1900;
	[dreg:$0x9] =	wrdreg s22;
	p1 =	sne.s32 s19, $0x1  }
.Ltmp0:
0x19: {  	s15 =	simm.s32 $0x3200;
	[dreg:$0xa] =	wrdreg s0;
	(pc) =	sbr.rel @!p1 .LBB2_3-.Ltmp0, $4  }
0x1a: {  	s17 =	simm.s32 $0x9600;
	s18 =	simm.s32 $0x4B00;
	[dreg:$0xb] =	wrdreg s13  }
0x1b: {  	s28 =	sadd.s32 s1, s16;
	s13 =	sadd.s32 s14, s3;
	s16 =	simm.s32 $0xE780  }
0x1c: {  	s14 =	simm.s32 $0x5;
	s22 =	simm.s32 $0x4;
	s5 =	simm.s32 $0x6400  }
0x1d: {  	s0 =	rddreg [dreg:$0x5];
	s1 =	sadd.s32 $0xFFFFFFFF, s19;
	s19 =	simm.s32 $0xAF00  }
0x1e: {  	[dreg:$0xc] =	wrdreg s1  }
0x1f: {  	[tilespmem:s2], [sflag:$0x1] =	stream.linear.gather [hbm4b:s0+s2], $0x6400, $0x38;
	[tilespmem:$0x1FB28] =	vst v63  }
0x20: {  	s1 =	rddreg [dreg:$0x6]  }
0x21: {  	[tilespmem:s21], [sflag:$0x3] =	stream.linear.gather [hbm4b:s1+s2], $0x1F40, $0x38;
	[tilespmem:$0x1FB28] =	vst v63  }
0x22: {  	s0 =	rddreg [dreg:$0x7]  }
0x23: {  	[tilespmem:s16], [sflag:$0x4] =	stream.linear.gather [hbm4b:s0+s2], $0x1F40, $0x38;
	[tilespmem:$0x1FB28] =	vst v63  }
0x24: {  	_ =	swait.ge [sflag:s24], $0x1F40  }
0x25: {  	[sflag:s24] =	ssyncset.done $0x0  }
0x26: {  	s1 =	rddreg [dreg:$0x8];
	[sflag:s24] =	ssyncadd.s32 $0xFFFFE0C0  }
0x27: {  	[spmem:s1] =	stream.linear.scatter [tilespmem:s21], [sflag:$0x5], $0x1F40, $0x38;
	[tilespmem:$0x1FB28] =	vst v63  }
0x28: {  	_ =	swait.ge [sflag:s14], $0x1F40  }
0x29: {  	[sflag:s14] =	ssyncset.done $0x0  }
0x2a: {  	s1 =	rddreg [dreg:$0x9];
	[sflag:s14] =	ssyncadd.s32 $0xFFFFE0C0  }
0x2b: {  	[tilespmem:s21], [sflag:$0x3] =	stream.linear.gather [hbm4b:s1+s2], $0x1F40, $0x38;
	[tilespmem:$0x1FB28] =	vst v63  }
0x2c: {  	_ =	swait.ge [sflag:s22], $0x1F40  }
0x2d: {  	[sflag:s22] =	ssyncset.done $0x0  }
0x2e: {  	s1 =	rddreg [dreg:$0xa];
	[sflag:s22] =	ssyncadd.s32 $0xFFFFE0C0  }
0x2f: {  	[spmem:s1] =	stream.linear.scatter [tilespmem:s16], [sflag:$0x6], $0x1F40, $0x38;
	[tilespmem:$0x1FB28] =	vst v63  }
0x30: {  	_ =	swait.ge [sflag:s12], $0x1F40  }
0x31: {  	[sflag:s12] =	ssyncset.done $0x0  }
0x32: {  	s1 =	rddreg [dreg:$0xb];
	[sflag:s12] =	ssyncadd.s32 $0xFFFFE0C0  }
0x33: {  	[tilespmem:s16], [sflag:$0x4] =	stream.linear.gather [hbm4b:s1+s2], $0x1F40, $0x38;
	[tilespmem:$0x1FB28] =	vst v63  }
0x34: {  	_ =	swait.ge [sflag:s24], $0x1F40  }
0x35: {  	[sflag:s24] =	ssyncset.done $0x0  }
0x36: {  	[sflag:s24] =	ssyncadd.s32 $0xFFFFE0C0  }
0x37: {  	[spmem:s31] =	stream.linear.scatter [tilespmem:s21], [sflag:$0x5], $0x1F40, $0x38;
	[tilespmem:$0x1FB28] =	vst v63  }
0x38: {  	_ =	swait.ge [sflag:s14], $0x1F40  }
0x39: {  	[sflag:s14] =	ssyncset.done $0x0  }
0x3a: {  	[sflag:s14] =	ssyncadd.s32 $0xFFFFE0C0  }
0x3b: {  	[tilespmem:s21], [sflag:$0x3] =	stream.linear.gather [hbm4b:s30+s2], $0x1F40, $0x38;
	[tilespmem:$0x1FB28] =	vst v63  }
0x3c: {  	_ =	swait.ge [sflag:s22], $0x1F40  }
0x3d: {  	[sflag:s22] =	ssyncset.done $0x0  }
0x3e: {  	[sflag:s22] =	ssyncadd.s32 $0xFFFFE0C0  }
0x3f: {  	[spmem:s29] =	stream.linear.scatter [tilespmem:s16], [sflag:$0x6], $0x1F40, $0x38;
	[tilespmem:$0x1FB28] =	vst v63  }
0x40: {  	_ =	swait.ge [sflag:s12], $0x1F40  }
0x41: {  	[sflag:s12] =	ssyncset.done $0x0  }
0x42: {  	[sflag:s12] =	ssyncadd.s32 $0xFFFFE0C0  }
0x43: {  	[tilespmem:s16], [sflag:$0x4] =	stream.linear.gather [hbm4b:s28+s2], $0x1F40, $0x38;
	[tilespmem:$0x1FB28] =	vst v63  }
0x44: {  	_ =	swait.ge [sflag:s24], $0x1F40  }
0x45: {  	[sflag:s24] =	ssyncset.done $0x0  }
0x46: {  	[sflag:s24] =	ssyncadd.s32 $0xFFFFE0C0  }
0x47: {  	[spmem:s26] =	stream.linear.scatter [tilespmem:s21], [sflag:$0x5], $0x1F40, $0x38;
	[tilespmem:$0x1FB28] =	vst v63  }
0x48: {  	_ =	swait.ge [sflag:s14], $0x1F40  }
0x49: {  	[sflag:s14] =	ssyncset.done $0x0  }
0x4a: {  	[sflag:s14] =	ssyncadd.s32 $0xFFFFE0C0  }
0x4b: {  	[tilespmem:s21], [sflag:$0x3] =	stream.linear.gather [hbm4b:s25+s2], $0x1F40, $0x38;
	[tilespmem:$0x1FB28] =	vst v63  }
0x4c: {  	_ =	swait.ge [sflag:s22], $0x1F40  }
0x4d: {  	[sflag:s22] =	ssyncset.done $0x0  }
0x4e: {  	[sflag:s22] =	ssyncadd.s32 $0xFFFFE0C0  }
0x4f: {  	[spmem:s23] =	stream.linear.scatter [tilespmem:s16], [sflag:$0x6], $0x1F40, $0x38;
	[tilespmem:$0x1FB28] =	vst v63  }
0x50: {  	_ =	swait.ge [sflag:s12], $0x1F40  }
0x51: {  	[sflag:s12] =	ssyncset.done $0x0  }
0x52: {  	[sflag:s12] =	ssyncadd.s32 $0xFFFFE0C0  }
0x53: {  	[tilespmem:s16], [sflag:$0x4] =	stream.linear.gather [hbm4b:s20+s2], $0x1F40, $0x38;
	[tilespmem:$0x1FB28] =	vst v63  }
0x54: {  	_ =	swait.ge [sflag:s24], $0x1F40  }
0x55: {  	[sflag:s24] =	ssyncset.done $0x0  }
0x56: {  	[sflag:s24] =	ssyncadd.s32 $0xFFFFE0C0  }
0x57: {  	[spmem:s13] =	stream.linear.scatter [tilespmem:s21], [sflag:$0x5], $0x1F40, $0x38;
	[tilespmem:$0x1FB28] =	vst v63  }
0x58: {  	_ =	swait.ge [sflag:s22], $0x1F40  }
0x59: {  	[sflag:s22] =	ssyncset.done $0x0  }
0x5a: {  	[sflag:s22] =	ssyncadd.s32 $0xFFFFE0C0  }
0x5b: {  	[spmem:s9] =	stream.linear.scatter [tilespmem:s16], [sflag:$0x6], $0x1F40, $0x38;
	[tilespmem:$0x1FB28] =	vst v63  }
0x5c: {  	_ =	swait.ge [sflag:s14], $0x1F40  }
0x5d: {  	[sflag:s14] =	ssyncset.done $0x0  }
0x5e: {  	[sflag:s14] =	ssyncadd.s32 $0xFFFFE0C0  }
0x5f: {  	_ =	swait.ge [sflag:s12], $0x1F40  }
0x60: {  	[sflag:s12] =	ssyncset.done $0x0  }
0x61: {  	[sflag:s12] =	ssyncadd.s32 $0xFFFFE0C0  }
0x62: {  	_ =	swait.ge [sflag:s10], $0x6400  }
0x63: {  	[sflag:s10] =	ssyncset.done $0x0  }
0x64: {  	[sflag:s10] =	ssyncadd.s32 $0xFFFF9C00  }
0x65: {  	[bflag:$0x0] =	sbarrier.arrive $0xFFFF  }
0x66: {  	[tilespmem:s5], [sflag:$0x2] =	stream.indirect.gather [spmem:s3], $0x1, s2, s8, $0xb8;
	[tilespmem:$0x1FB28] =	vst v63  }
0x67: {  	_ = 	snop  }
0x68: {  	[tilespmem:s11], [sflag:$0x2] =	stream.indirect.gather [spmem:s3], $0x1, s8, s8, $0xb8;
	[tilespmem:$0x1FB28] =	vst v63  }
0x69: {  	_ = 	snop  }
0x6a: {  	[tilespmem:s17], [sflag:$0x2] =	stream.indirect.gather [spmem:s3], $0x1, s15, s8, $0xb8;
	[tilespmem:$0x1FB28] =	vst v63  }
0x6b: {  	_ = 	snop  }
0x6c: {  	[tilespmem:s19], [sflag:$0x2] =	stream.indirect.gather [spmem:s3], $0x1, s18, s8, $0xb8;
	[tilespmem:$0x1FB28] =	vst v63  }
0x6d: {  	_ =	swait.ge [sflag:s7], $0x1900  }
0x6e: {  	[sflag:s7] =	ssyncset.done $0x0  }
0x6f: {  	[sflag:s7] =	ssyncadd.s32 $0xFFFFE700  }
0x70: {  	_ =	swait.ge [sflag:s7], $0x1900  }
0x71: {  	[sflag:s7] =	ssyncset.done $0x0  }
0x72: {  	[sflag:s7] =	ssyncadd.s32 $0xFFFFE700  }
0x73: {  	_ =	swait.ge [sflag:s7], $0x1900  }
0x74: {  	[sflag:s7] =	ssyncset.done $0x0  }
0x75: {  	[sflag:s7] =	ssyncadd.s32 $0xFFFFE700  }
0x76: {  	_ =	swait.ge [sflag:s7], $0x1900  }
0x77: {  	s1 =	rddreg [dreg:$0xc]  }
0x78: {  	p1 =	sne.s32 s1, $0x1  }
.Ltmp1:
0x79: {  	[sflag:s7] =	ssyncset.done $0x0;
	(pc) =	sbr.rel @!p1 .LBB2_3-.Ltmp1, $4  }
0x7a: {  	[sflag:s7] =	ssyncadd.s32 $0xFFFFE700  }
0x7b: {  	[hbm4b:s4+s2] =	stream.linear.scatter [tilespmem:s5], [sflag:$0x7], $0x6400, $0x38;
	[tilespmem:$0x1FB28] =	vst v63  }
0x7c: {  	p0 =	por $0x1, $0x1;
	_ =	swait.ge [sflag:s6], $0x6400  }
0x7d: {  	s1 =	sadd.s32 $0xFFFFFFFF, s1;
	s0 =	rddreg [dreg:$0x5];
	[sflag:s6] =	ssyncset.done $0x0  }
.LBB2_2:
0x7e: {  	[sflag:s6] =	ssyncadd.s32 $0xFFFF9C00  }
0x7f: {  	[tilespmem:s2], [sflag:$0x1] =	stream.linear.gather [hbm4b:s0+s2], $0x6400, $0x38;
	[tilespmem:$0x1FB28] =	vst v63  }
0x80: {  	s11 =	rddreg [dreg:$0x6]  }
0x81: {  	[tilespmem:s21], [sflag:$0x3] =	stream.linear.gather [hbm4b:s11+s2], $0x1F40, $0x38;
	[tilespmem:$0x1FB28] =	vst v63  }
0x82: {  	s0 =	rddreg [dreg:$0x7]  }
0x83: {  	[tilespmem:s16], [sflag:$0x4] =	stream.linear.gather [hbm4b:s0+s2], $0x1F40, $0x38;
	[tilespmem:$0x1FB28] =	vst v63  }
0x84: {  	_ =	swait.ge [sflag:s24], $0x1F40  }
0x85: {  	[sflag:s24] =	ssyncset.done $0x0  }
0x86: {  	s0 =	rddreg [dreg:$0x8];
	[sflag:s24] =	ssyncadd.s32 $0xFFFFE0C0  }
0x87: {  	[spmem:s0] =	stream.linear.scatter [tilespmem:s21], [sflag:$0x5], $0x1F40, $0x38;
	[tilespmem:$0x1FB28] =	vst v63  }
0x88: {  	_ =	swait.ge [sflag:s14], $0x1F40  }
0x89: {  	[sflag:s14] =	ssyncset.done $0x0  }
0x8a: {  	s0 =	rddreg [dreg:$0x9];
	[sflag:s14] =	ssyncadd.s32 $0xFFFFE0C0  }
0x8b: {  	[tilespmem:s21], [sflag:$0x3] =	stream.linear.gather [hbm4b:s0+s2], $0x1F40, $0x38;
	[tilespmem:$0x1FB28] =	vst v63  }
0x8c: {  	_ =	swait.ge [sflag:s22], $0x1F40  }
0x8d: {  	[sflag:s22] =	ssyncset.done $0x0  }
0x8e: {  	s0 =	rddreg [dreg:$0xa];
	[sflag:s22] =	ssyncadd.s32 $0xFFFFE0C0  }
0x8f: {  	[spmem:s0] =	stream.linear.scatter [tilespmem:s16], [sflag:$0x6], $0x1F40, $0x38;
	[tilespmem:$0x1FB28] =	vst v63  }
0x90: {  	_ =	swait.ge [sflag:s12], $0x1F40  }
0x91: {  	[sflag:s12] =	ssyncset.done $0x0  }
0x92: {  	s0 =	rddreg [dreg:$0xb];
	[sflag:s12] =	ssyncadd.s32 $0xFFFFE0C0  }
0x93: {  	[tilespmem:s16], [sflag:$0x4] =	stream.linear.gather [hbm4b:s0+s2], $0x1F40, $0x38;
	[tilespmem:$0x1FB28] =	vst v63  }
0x94: {  	_ =	swait.ge [sflag:s24], $0x1F40  }
0x95: {  	[sflag:s24] =	ssyncset.done $0x0  }
0x96: {  	[sflag:s24] =	ssyncadd.s32 $0xFFFFE0C0  }
0x97: {  	[spmem:s31] =	stream.linear.scatter [tilespmem:s21], [sflag:$0x5], $0x1F40, $0x38;
	[tilespmem:$0x1FB28] =	vst v63  }
0x98: {  	_ =	swait.ge [sflag:s14], $0x1F40  }
0x99: {  	[sflag:s14] =	ssyncset.done $0x0  }
0x9a: {  	[sflag:s14] =	ssyncadd.s32 $0xFFFFE0C0  }
0x9b: {  	[tilespmem:s21], [sflag:$0x3] =	stream.linear.gather [hbm4b:s30+s2], $0x1F40, $0x38;
	[tilespmem:$0x1FB28] =	vst v63  }
0x9c: {  	_ =	swait.ge [sflag:s22], $0x1F40  }
0x9d: {  	[sflag:s22] =	ssyncset.done $0x0  }
0x9e: {  	[sflag:s22] =	ssyncadd.s32 $0xFFFFE0C0  }
0x9f: {  	[spmem:s29] =	stream.linear.scatter [tilespmem:s16], [sflag:$0x6], $0x1F40, $0x38;
	[tilespmem:$0x1FB28] =	vst v63  }
0xa0: {  	_ =	swait.ge [sflag:s12], $0x1F40  }
0xa1: {  	[sflag:s12] =	ssyncset.done $0x0  }
0xa2: {  	[sflag:s12] =	ssyncadd.s32 $0xFFFFE0C0  }
0xa3: {  	[tilespmem:s16], [sflag:$0x4] =	stream.linear.gather [hbm4b:s28+s2], $0x1F40, $0x38;
	[tilespmem:$0x1FB28] =	vst v63  }
0xa4: {  	_ =	swait.ge [sflag:s24], $0x1F40  }
0xa5: {  	[sflag:s24] =	ssyncset.done $0x0  }
0xa6: {  	[sflag:s24] =	ssyncadd.s32 $0xFFFFE0C0  }
0xa7: {  	[spmem:s26] =	stream.linear.scatter [tilespmem:s21], [sflag:$0x5], $0x1F40, $0x38;
	[tilespmem:$0x1FB28] =	vst v63  }
0xa8: {  	_ =	swait.ge [sflag:s14], $0x1F40  }
0xa9: {  	[sflag:s14] =	ssyncset.done $0x0  }
0xaa: {  	[sflag:s14] =	ssyncadd.s32 $0xFFFFE0C0  }
0xab: {  	[tilespmem:s21], [sflag:$0x3] =	stream.linear.gather [hbm4b:s25+s2], $0x1F40, $0x38;
	[tilespmem:$0x1FB28] =	vst v63  }
0xac: {  	_ =	swait.ge [sflag:s22], $0x1F40  }
0xad: {  	[sflag:s22] =	ssyncset.done $0x0  }
0xae: {  	[sflag:s22] =	ssyncadd.s32 $0xFFFFE0C0  }
0xaf: {  	[spmem:s23] =	stream.linear.scatter [tilespmem:s16], [sflag:$0x6], $0x1F40, $0x38;
	[tilespmem:$0x1FB28] =	vst v63  }
0xb0: {  	_ =	swait.ge [sflag:s12], $0x1F40  }
0xb1: {  	[sflag:s12] =	ssyncset.done $0x0  }
0xb2: {  	[sflag:s12] =	ssyncadd.s32 $0xFFFFE0C0  }
0xb3: {  	[tilespmem:s16], [sflag:$0x4] =	stream.linear.gather [hbm4b:s20+s2], $0x1F40, $0x38;
	[tilespmem:$0x1FB28] =	vst v63  }
0xb4: {  	_ =	swait.ge [sflag:s24], $0x1F40  }
0xb5: {  	[sflag:s24] =	ssyncset.done $0x0  }
0xb6: {  	[sflag:s24] =	ssyncadd.s32 $0xFFFFE0C0  }
0xb7: {  	[spmem:s13] =	stream.linear.scatter [tilespmem:s21], [sflag:$0x5], $0x1F40, $0x38;
	[tilespmem:$0x1FB28] =	vst v63  }
0xb8: {  	_ =	swait.ge [sflag:s22], $0x1F40  }
0xb9: {  	[sflag:s22] =	ssyncset.done $0x0  }
0xba: {  	[sflag:s22] =	ssyncadd.s32 $0xFFFFE0C0  }
0xbb: {  	[spmem:s9] =	stream.linear.scatter [tilespmem:s16], [sflag:$0x6], $0x1F40, $0x38;
	[tilespmem:$0x1FB28] =	vst v63  }
0xbc: {  	_ =	swait.ge [sflag:s14], $0x1F40  }
0xbd: {  	[sflag:s14] =	ssyncset.done $0x0  }
0xbe: {  	[sflag:s14] =	ssyncadd.s32 $0xFFFFE0C0  }
0xbf: {  	_ =	swait.ge [sflag:s12], $0x1F40  }
0xc0: {  	[sflag:s12] =	ssyncset.done $0x0  }
0xc1: {  	[sflag:s12] =	ssyncadd.s32 $0xFFFFE0C0  }
0xc2: {  	_ =	swait.ge [sflag:s10], $0x6400  }
0xc3: {  	[sflag:s10] =	ssyncset.done $0x0  }
0xc4: {  	[sflag:s10] =	ssyncadd.s32 $0xFFFF9C00  }
0xc5: {  	[bflag:$0x0] =	sbarrier.arrive $0xFFFF  }
0xc6: {  	[tilespmem:s5], [sflag:$0x2] =	stream.indirect.gather [spmem:s3], $0x1, s2, s8, $0xb8;
	[tilespmem:$0x1FB28] =	vst v63  }
0xc7: {  	s11 =	simm.s32 $0x7D00  }
0xc8: {  	[tilespmem:s11], [sflag:$0x2] =	stream.indirect.gather [spmem:s3], $0x1, s8, s8, $0xb8;
	[tilespmem:$0x1FB28] =	vst v63  }
0xc9: {  	_ = 	snop  }
0xca: {  	[tilespmem:s17], [sflag:$0x2] =	stream.indirect.gather [spmem:s3], $0x1, s15, s8, $0xb8;
	[tilespmem:$0x1FB28] =	vst v63  }
0xcb: {  	_ = 	snop  }
0xcc: {  	[tilespmem:s19], [sflag:$0x2] =	stream.indirect.gather [spmem:s3], $0x1, s18, s8, $0xb8;
	[tilespmem:$0x1FB28] =	vst v63  }
0xcd: {  	_ =	swait.ge [sflag:s7], $0x1900  }
0xce: {  	[sflag:s7] =	ssyncset.done $0x0  }
0xcf: {  	[sflag:s7] =	ssyncadd.s32 $0xFFFFE700  }
0xd0: {  	_ =	swait.ge [sflag:s7], $0x1900  }
0xd1: {  	[sflag:s7] =	ssyncset.done $0x0  }
0xd2: {  	[sflag:s7] =	ssyncadd.s32 $0xFFFFE700  }
0xd3: {  	_ =	swait.ge [sflag:s7], $0x1900  }
0xd4: {  	[sflag:s7] =	ssyncset.done $0x0  }
0xd5: {  	[sflag:s7] =	ssyncadd.s32 $0xFFFFE700  }
0xd6: {  	p1 =	sne.s32 s1, $0x1;
	_ =	swait.ge [sflag:s7], $0x1900  }
.Ltmp2:
0xd7: {  	[sflag:s7] =	ssyncset.done $0x0;
	(pc) =	sbr.rel @p1 .LBB2_2-.Ltmp2, $4  }
0xd8: {  	[sflag:s7] =	ssyncadd.s32 $0xFFFFE700  }
0xd9: {  	[hbm4b:s4+s2] =	stream.linear.scatter [tilespmem:s5], [sflag:$0x7], $0x6400, $0x38;
	[tilespmem:$0x1FB28] =	vst v63  }
0xda: {  	_ =	swait.ge [sflag:s6], $0x6400  }
0xdb: {  	s1 =	sadd.s32 $0xFFFFFFFF, s1;
	s0 =	rddreg [dreg:$0x5];
	[sflag:s6] =	ssyncset.done $0x0  }
.LBB2_3:
0xdc: {  	[sflag:s6] =	ssyncadd.s32 @p0 $0xFFFF9C00  }
0xdd: {  	[tilespmem:s2], [sflag:$0x1] =	stream.linear.gather [hbm4b:s0+s2], $0x6400, $0x38;
	[tilespmem:$0x1FB28] =	vst v63  }
0xde: {  	s1 =	rddreg [dreg:$0x6]  }
0xdf: {  	[tilespmem:s21], [sflag:$0x3] =	stream.linear.gather [hbm4b:s1+s2], $0x1F40, $0x38;
	[tilespmem:$0x1FB28] =	vst v63  }
0xe0: {  	s0 =	rddreg [dreg:$0x7]  }
0xe1: {  	[tilespmem:s16], [sflag:$0x4] =	stream.linear.gather [hbm4b:s0+s2], $0x1F40, $0x38;
	[tilespmem:$0x1FB28] =	vst v63  }
0xe2: {  	_ =	swait.ge [sflag:s24], $0x1F40  }
0xe3: {  	[sflag:s24] =	ssyncset.done $0x0  }
0xe4: {  	s1 =	rddreg [dreg:$0x8];
	[sflag:s24] =	ssyncadd.s32 $0xFFFFE0C0  }
0xe5: {  	[spmem:s1] =	stream.linear.scatter [tilespmem:s21], [sflag:$0x5], $0x1F40, $0x38;
	[tilespmem:$0x1FB28] =	vst v63  }
0xe6: {  	_ =	swait.ge [sflag:s14], $0x1F40  }
0xe7: {  	[sflag:s14] =	ssyncset.done $0x0  }
0xe8: {  	s1 =	rddreg [dreg:$0x9];
	[sflag:s14] =	ssyncadd.s32 $0xFFFFE0C0  }
0xe9: {  	[tilespmem:s21], [sflag:$0x3] =	stream.linear.gather [hbm4b:s1+s2], $0x1F40, $0x38;
	[tilespmem:$0x1FB28] =	vst v63  }
0xea: {  	_ =	swait.ge [sflag:s22], $0x1F40  }
0xeb: {  	[sflag:s22] =	ssyncset.done $0x0  }
0xec: {  	s1 =	rddreg [dreg:$0xa];
	[sflag:s22] =	ssyncadd.s32 $0xFFFFE0C0  }
0xed: {  	[spmem:s1] =	stream.linear.scatter [tilespmem:s16], [sflag:$0x6], $0x1F40, $0x38;
	[tilespmem:$0x1FB28] =	vst v63  }
0xee: {  	_ =	swait.ge [sflag:s12], $0x1F40  }
0xef: {  	[sflag:s12] =	ssyncset.done $0x0  }
0xf0: {  	s1 =	rddreg [dreg:$0xb];
	[sflag:s12] =	ssyncadd.s32 $0xFFFFE0C0  }
0xf1: {  	[tilespmem:s16], [sflag:$0x4] =	stream.linear.gather [hbm4b:s1+s2], $0x1F40, $0x38;
	[tilespmem:$0x1FB28] =	vst v63  }
0xf2: {  	_ =	swait.ge [sflag:s24], $0x1F40  }
0xf3: {  	[sflag:s24] =	ssyncset.done $0x0  }
0xf4: {  	[sflag:s24] =	ssyncadd.s32 $0xFFFFE0C0  }
0xf5: {  	[spmem:s31] =	stream.linear.scatter [tilespmem:s21], [sflag:$0x5], $0x1F40, $0x38;
	[tilespmem:$0x1FB28] =	vst v63  }
0xf6: {  	_ =	swait.ge [sflag:s14], $0x1F40  }
0xf7: {  	[sflag:s14] =	ssyncset.done $0x0  }
0xf8: {  	[sflag:s14] =	ssyncadd.s32 $0xFFFFE0C0  }
0xf9: {  	[tilespmem:s21], [sflag:$0x3] =	stream.linear.gather [hbm4b:s30+s2], $0x1F40, $0x38;
	[tilespmem:$0x1FB28] =	vst v63  }
0xfa: {  	_ =	swait.ge [sflag:s22], $0x1F40  }
0xfb: {  	[sflag:s22] =	ssyncset.done $0x0  }
0xfc: {  	[sflag:s22] =	ssyncadd.s32 $0xFFFFE0C0  }
0xfd: {  	[spmem:s29] =	stream.linear.scatter [tilespmem:s16], [sflag:$0x6], $0x1F40, $0x38;
	[tilespmem:$0x1FB28] =	vst v63  }
0xfe: {  	_ =	swait.ge [sflag:s12], $0x1F40  }
0xff: {  	[sflag:s12] =	ssyncset.done $0x0  }
0x100: {  	[sflag:s12] =	ssyncadd.s32 $0xFFFFE0C0  }
0x101: {  	[tilespmem:s16], [sflag:$0x4] =	stream.linear.gather [hbm4b:s28+s2], $0x1F40, $0x38;
	[tilespmem:$0x1FB28] =	vst v63  }
0x102: {  	_ =	swait.ge [sflag:s24], $0x1F40  }
0x103: {  	[sflag:s24] =	ssyncset.done $0x0  }
0x104: {  	[sflag:s24] =	ssyncadd.s32 $0xFFFFE0C0  }
0x105: {  	[spmem:s26] =	stream.linear.scatter [tilespmem:s21], [sflag:$0x5], $0x1F40, $0x38;
	[tilespmem:$0x1FB28] =	vst v63  }
0x106: {  	_ =	swait.ge [sflag:s14], $0x1F40  }
0x107: {  	[sflag:s14] =	ssyncset.done $0x0  }
0x108: {  	[sflag:s14] =	ssyncadd.s32 $0xFFFFE0C0  }
0x109: {  	[tilespmem:s21], [sflag:$0x3] =	stream.linear.gather [hbm4b:s25+s2], $0x1F40, $0x38;
	[tilespmem:$0x1FB28] =	vst v63  }
0x10a: {  	_ =	swait.ge [sflag:s22], $0x1F40  }
0x10b: {  	[sflag:s22] =	ssyncset.done $0x0  }
0x10c: {  	[sflag:s22] =	ssyncadd.s32 $0xFFFFE0C0  }
0x10d: {  	[spmem:s23] =	stream.linear.scatter [tilespmem:s16], [sflag:$0x6], $0x1F40, $0x38;
	[tilespmem:$0x1FB28] =	vst v63  }
0x10e: {  	_ =	swait.ge [sflag:s12], $0x1F40  }
0x10f: {  	[sflag:s12] =	ssyncset.done $0x0  }
0x110: {  	[sflag:s12] =	ssyncadd.s32 $0xFFFFE0C0  }
0x111: {  	[tilespmem:s16], [sflag:$0x4] =	stream.linear.gather [hbm4b:s20+s2], $0x1F40, $0x38;
	[tilespmem:$0x1FB28] =	vst v63  }
0x112: {  	_ =	swait.ge [sflag:s24], $0x1F40  }
0x113: {  	[sflag:s24] =	ssyncset.done $0x0  }
0x114: {  	[sflag:s24] =	ssyncadd.s32 $0xFFFFE0C0  }
0x115: {  	[spmem:s13] =	stream.linear.scatter [tilespmem:s21], [sflag:$0x5], $0x1F40, $0x38;
	[tilespmem:$0x1FB28] =	vst v63  }
0x116: {  	_ =	swait.ge [sflag:s22], $0x1F40  }
0x117: {  	[sflag:s22] =	ssyncset.done $0x0  }
0x118: {  	[sflag:s22] =	ssyncadd.s32 $0xFFFFE0C0  }
0x119: {  	[spmem:s9] =	stream.linear.scatter [tilespmem:s16], [sflag:$0x6], $0x1F40, $0x38;
	[tilespmem:$0x1FB28] =	vst v63  }
0x11a: {  	_ =	swait.ge [sflag:s14], $0x1F40  }
0x11b: {  	[sflag:s14] =	ssyncset.done $0x0  }
0x11c: {  	[sflag:s14] =	ssyncadd.s32 $0xFFFFE0C0  }
0x11d: {  	_ =	swait.ge [sflag:s12], $0x1F40  }
0x11e: {  	[sflag:s12] =	ssyncset.done $0x0  }
0x11f: {  	[sflag:s12] =	ssyncadd.s32 $0xFFFFE0C0  }
0x120: {  	_ =	swait.ge [sflag:s10], $0x6400  }
0x121: {  	[sflag:s10] =	ssyncset.done $0x0  }
0x122: {  	[sflag:s10] =	ssyncadd.s32 $0xFFFF9C00  }
0x123: {  	[bflag:$0x0] =	sbarrier.arrive $0xFFFF  }
0x124: {  	[tilespmem:s5], [sflag:$0x2] =	stream.indirect.gather [spmem:s3], $0x1, s2, s8, $0xb8;
	[tilespmem:$0x1FB28] =	vst v63  }
0x125: {  	_ = 	snop  }
0x126: {  	[tilespmem:s11], [sflag:$0x2] =	stream.indirect.gather [spmem:s3], $0x1, s8, s8, $0xb8;
	[tilespmem:$0x1FB28] =	vst v63  }
0x127: {  	_ = 	snop  }
0x128: {  	[tilespmem:s17], [sflag:$0x2] =	stream.indirect.gather [spmem:s3], $0x1, s15, s8, $0xb8;
	[tilespmem:$0x1FB28] =	vst v63  }
0x129: {  	_ = 	snop  }
0x12a: {  	[tilespmem:s19], [sflag:$0x2] =	stream.indirect.gather [spmem:s3], $0x1, s18, s8, $0xb8;
	[tilespmem:$0x1FB28] =	vst v63  }
0x12b: {  	_ =	swait.ge [sflag:s7], $0x1900  }
0x12c: {  	[sflag:s7] =	ssyncset.done $0x0  }
0x12d: {  	[sflag:s7] =	ssyncadd.s32 $0xFFFFE700  }
0x12e: {  	_ =	swait.ge [sflag:s7], $0x1900  }
0x12f: {  	[sflag:s7] =	ssyncset.done $0x0  }
0x130: {  	[sflag:s7] =	ssyncadd.s32 $0xFFFFE700  }
0x131: {  	_ =	swait.ge [sflag:s7], $0x1900  }
0x132: {  	[sflag:s7] =	ssyncset.done $0x0  }
0x133: {  	[sflag:s7] =	ssyncadd.s32 $0xFFFFE700  }
0x134: {  	_ =	swait.ge [sflag:s7], $0x1900  }
0x135: {  	[sflag:s7] =	ssyncset.done $0x0  }
0x136: {  	[sflag:s7] =	ssyncadd.s32 $0xFFFFE700  }
0x137: {  	[hbm4b:s4+s2] =	stream.linear.scatter [tilespmem:s5], [sflag:$0x7], $0x6400, $0x38;
	[tilespmem:$0x1FB28] =	vst v63  }
0x138: {  	_ =	swait.ge [sflag:s6], $0x6400  }
0x139: {  	[sflag:s6] =	ssyncset.done $0x0  }
0x13a: {  	[sflag:s6] =	ssyncadd.s32 $0xFFFF9C00  }
0x13b: {  	_ =	sfence.sel $0x180000  }
0x13c: {  	[bflag:$0x0] =	sbarrier.arrive $0xFFFF  }
0x13d: {  	_ =	strace $0x90000047  }
0x13e: {  	s31 =	stileid.u32;
	[bflag:$0x2] =	sbarrier.arrive $0xFFFF  }
0x13f: {  	p0 =	sne.s32 s31, $0x0;
	s0 =	rddreg [dreg:$0x4]  }
0x140: {  	s0 =	sadd.s32 @!p0 $0x100000, s0  }
0x141: {  	[sflag:s0] =	ssyncadd.tile.s32 @!p0 $0x1;
	_ =	shalt  }
.Lfunc_end2:
_tile_overlayer_lowered:
.L_overlay_start_2:
0x142: {  	(tag) =	ssettag $0x2  }
0x143: {  	s0 =	rddreg [dreg:$0x0];
	s2 =	stileid.u32  }
0x144: {  	s1 =	rddreg [dreg:$0x1];
	p0 =	sne.s32 s2, $0x0  }
0x145: {  	s3 =	rddreg [dreg:$0x2];
	[bflag:$0x3] =	sbarrier.arrive $0xFFFF;
	s2 =	simm.s32 @!p0 $0x1C07  }
0x146: {  	[timem:s3], [sflag:s2] =	dma.local @!p0 [hbm:s0], s1  }
0x147: {  	s0 =	simm.s32 @!p0 $0x7  }
0x148: {  	_ =	swait.ge @!p0 [sflag:s0], s1  }
0x149: {  	s1 =	ssub.s32 @!p0 $0x0, s1;
	[sflag:s0] =	ssyncset.done @!p0 $0x0  }
0x14a: {  	[sflag:s0] =	ssyncadd.s32 @!p0 s1  }
0x14b: {  	[bflag:$0x3] =	sbarrier.arrive $0xFFFF  }
0x14c: {  	_ =	shalt  }

</sc_bundles>
